<compile_context>
chip_gen: v7x
topology: tpu7x:2x2x1
jax: 0.10.2.dev20260603
libtpu: 0.0.44.dev20260713+nightly
codegen_flags: <defaults>
</compile_context>

<pallas_src>
import functools

import jax
import jax.numpy as jnp
from jax import lax
from jax.experimental import pallas as pl
from jax.experimental.pallas import tpu as pltpu
from jax.experimental.pallas import tpu_sc as plsc

B = 4096
L = 200
EMB = 32
VOCAB = 1000000

NC = 2
NS = 16
NW = NC * NS
BPW = B // NW
IPW = BPW * L

_MV_BLK = 16384
_MV_NBLK = -(-VOCAB // _MV_BLK)
_TV_LEN = _MV_NBLK * _MV_BLK


def _mv_body(wr_ref, a_ref, bl_ref, o_ref):
    r = lax.dot_general(
        wr_ref[...], a_ref[...], (((1,), (1,)), ((), ())),
        preferred_element_type=jnp.float32,
    )
    o_ref[...] = (r + bl_ref[0, 0]).reshape(_MV_BLK)


def _tc_matvec(table, wr, bl):
    return pl.pallas_call(
        _mv_body,
        grid=(_MV_NBLK,),
        in_specs=[
            pl.BlockSpec((1, EMB), lambda i: (0, 0)),
            pl.BlockSpec((_MV_BLK, EMB), lambda i: (i, 0)),
            pl.BlockSpec(memory_space=pltpu.SMEM),
        ],
        out_specs=pl.BlockSpec((_MV_BLK,), lambda i: (i,)),
        out_shape=jax.ShapeDtypeStruct((_TV_LEN,), jnp.float32),
    )(wr, table, bl)


_mesh = plsc.VectorSubcoreMesh(core_axis_name="c", subcore_axis_name="s")


@functools.partial(
    pl.kernel,
    mesh=_mesh,
    out_type=jax.ShapeDtypeStruct((B,), jnp.float32),
    compiler_params=pltpu.CompilerParams(needs_layout_passes=False),
    scratch_types=[
        pltpu.VMEM((IPW,), jnp.int32),
        pltpu.VMEM((IPW,), jnp.float32),
        pltpu.VMEM((BPW,), jnp.float32),
        pltpu.SemaphoreType.DMA,
    ],
)
def _sc_pool(ids_hbm, tv_hbm, out_hbm, idx_v, vals_v, out_v, sem):
    wid = lax.axis_index("s") * NC + lax.axis_index("c")
    pltpu.sync_copy(ids_hbm.at[pl.ds(wid * IPW, IPW)], idx_v)
    pltpu.async_copy(tv_hbm.at[idx_v], vals_v, sem).wait()

    lanebase = lax.iota(jnp.int32, 16) * L
    for c in range(BPW // 16):
        def body(l, acc):
            return acc + plsc.load_gather(vals_v, [lanebase + (c * 16 * L + l)])

        acc = lax.fori_loop(0, L, body, jnp.zeros((16,), jnp.float32))
        out_v[pl.ds(c * 16, 16)] = 1.0 / (1.0 + jnp.exp(-acc))
    pltpu.sync_copy(out_v, out_hbm.at[pl.ds(wid * BPW, BPW)])


def kernel(input_ids, table, W, b):
    wr = (W * (1.0 / L)).astype(jnp.float32)
    bl = (b * (1.0 / L)).reshape(1, 1).astype(jnp.float32)

    tv = _tc_matvec(table, wr, bl)
    ids_flat = input_ids.reshape(NW * IPW)
    out = _sc_pool(ids_flat, tv)
    return out.reshape(B, 1)

# --- scband reference (transcript-rebuilt; emitter-appended) ---
"""Pipeline reference for scband-bowmodel-85444079387288 (READ-ONLY COPY).

The authoritative reference and input builder live on the scoring server;
editing this copy changes nothing except your own understanding.
"""

import jax, jax.numpy as jnp
import numpy as np

VOCAB = 1000000
EMB = 32
B = 4096
L = 200

def setup_inputs(seed: int = 0) -> dict:
    key = jax.random.key(seed)
    k1, k2, k3, k4 = jax.random.split(key, 4)
    input_ids = jax.random.randint(k1, (B, L), 0, VOCAB, dtype=jnp.int64 if jax.config.jax_enable_x64 else jnp.int32).astype(jnp.int32)
    table = jax.random.normal(k2, (VOCAB, EMB), dtype=jnp.float32)
    # padding_idx=0: row 0 is zeros
    table = table.at[0].set(0.0)
    W = jax.random.normal(k3, (1, EMB), dtype=jnp.float32) * (1.0 / np.sqrt(EMB))
    b = jax.random.normal(k4, (1,), dtype=jnp.float32) * 0.01
    return {"input_ids": input_ids, "table": table, "W": W, "b": b}

def reference(input_ids, table, W, b):
    # embedding lookup (gather)
    x = jnp.take(table, input_ids, axis=0)          # (B, L, EMB)
    mean = x.mean(axis=-2)                           # (B, EMB)
    logits = mean @ W.T + b                          # (B, 1)
    prob = jax.nn.sigmoid(logits)
    return prob

if __name__ == "__main__":
    import jax
    _d = setup_inputs()
    print(jax.jit(kernel)(*tuple(_d.values())))

</pallas_src>

<mosaic_0001>
#map = affine_map<(d0, d1) -> (0)>
module attributes {stable_mosaic.version = 14 : i64} {
  func.func @_sc_pool(%arg0: i32, %arg1: i32, %arg2: memref<819200xi32, #tpu.memory_space<hbm>>, %arg3: memref<1015808xf32, #tpu.memory_space<hbm>>, %arg4: memref<4096xf32, #tpu.memory_space<hbm>>, %arg5: memref<25600xi32, #tpu.memory_space<vmem>>, %arg6: memref<25600xf32, #tpu.memory_space<vmem>>, %arg7: memref<128xf32, #tpu.memory_space<vmem>>, %arg8: memref<!tpu.dma_semaphore, #tpu.memory_space<semaphore_mem>>) attributes {dimension_semantics = [#tpu.dimension_semantics<core_parallel>, #tpu.dimension_semantics<subcore_parallel>], iteration_bounds = array<i64: 2, 16>, scalar_prefetch = 0 : i64, scratch_operands = 4 : i64, tpu.core_type = #tpu.core_type<sc_vector_subcore>, window_params = [{transform_indices = #map}, {transform_indices = #map}, {transform_indices = #map}]} {
    %mul3A = arith.constant 2 : i32
    %mul3A_0 = arith.muli %arg1, %mul3A : i32
    %add3A = arith.addi %mul3A_0, %arg0 : i32
    %mul3A_1 = arith.constant 25600 : i32
    %mul3A_2 = arith.muli %add3A, %mul3A_1 : i32
    "tpu.region"() ({
      %run_scoped3A = tpu.sem_alloc : memref<!tpu.dma_semaphore, #tpu.memory_space<semaphore_mem>>
      %dma_start3A_164 = tpu.memref_slice %arg2[%mul3A_2] : memref<819200xi32, #tpu.memory_space<hbm>> -> memref<25600xi32, #tpu.memory_space<hbm>>
      %dma_start3A_165 = tpu.memref_slice %arg2[%mul3A_2] : memref<819200xi32, #tpu.memory_space<hbm>> -> memref<25600xi32, #tpu.memory_space<hbm>>
      tpu.enqueue_dma source(%dma_start3A_165 : memref<25600xi32, #tpu.memory_space<hbm>>) target(%arg5 : memref<25600xi32, #tpu.memory_space<vmem>>) target_semaphore(%run_scoped3A : memref<!tpu.dma_semaphore, #tpu.memory_space<semaphore_mem>>)
      %dma_wait3A_166 = tpu.memref_slice %arg2[%mul3A_2] : memref<819200xi32, #tpu.memory_space<hbm>> -> memref<25600xi32, #tpu.memory_space<hbm>>
      %dma_wait3A_167 = tpu.memref_slice %arg2[%mul3A_2] : memref<819200xi32, #tpu.memory_space<hbm>> -> memref<25600xi32, #tpu.memory_space<hbm>>
      tpu.wait_dma2 semaphore(%run_scoped3A : memref<!tpu.dma_semaphore, #tpu.memory_space<semaphore_mem>>) src(%dma_wait3A_167 : memref<25600xi32, #tpu.memory_space<hbm>>) dst(%arg5 : memref<25600xi32, #tpu.memory_space<vmem>>)
      tpu.yield
    }) : () -> ()
    %dma_start3A = arith.constant 0 : i32
    %dma_start3A_3 = tpu.memref_slice %arg3[%dma_start3A] : memref<1015808xf32, #tpu.memory_space<hbm>> -> memref<1015808xf32, #tpu.memory_space<hbm>>
    tpu.enqueue_indirect_dma source(%dma_start3A_3 : memref<1015808xf32, #tpu.memory_space<hbm>>) target(%arg6 : memref<25600xf32, #tpu.memory_space<vmem>>) offsets(%arg5 : memref<25600xi32, #tpu.memory_space<vmem>>) semaphore(%arg8 : memref<!tpu.dma_semaphore, #tpu.memory_space<semaphore_mem>>)
    %dma_wait3A = arith.constant 0 : i32
    %dma_wait3A_4 = tpu.memref_slice %arg3[%dma_wait3A] : memref<1015808xf32, #tpu.memory_space<hbm>> -> memref<1015808xf32, #tpu.memory_space<hbm>>
    tpu.wait_indirect_dma semaphore(%arg8 : memref<!tpu.dma_semaphore, #tpu.memory_space<semaphore_mem>>) src(%dma_wait3A_4 : memref<1015808xf32, #tpu.memory_space<hbm>>) dst(%arg6 : memref<25600xf32, #tpu.memory_space<vmem>>)
    %iota3A = tpu.iota {dimensions = array<i32: 0>} : vector<16xi32>
    %mul3A_5 = arith.constant 200 : i32
    %mul3A_6 = vector.broadcast %mul3A_5 : i32 to vector<16xi32>
    %mul3A_7 = arith.muli %iota3A, %mul3A_6 : vector<16xi32>
    %broadcast_in_dim3A = arith.constant 0.000000e+00 : f32
    %broadcast_in_dim3A_8 = vector.broadcast %broadcast_in_dim3A : f32 to vector<16xf32>
    %scan3A = arith.constant 0 : i32
    %scan3A_9 = arith.constant 200 : i32
    %scan3A_10 = arith.addi %scan3A, %scan3A_9 : i32
    %scan3A_11 = arith.constant 1 : i32
    %scan3A_12 = scf.for %scan3A_164 = %scan3A to %scan3A_10 step %scan3A_11 iter_args(%scan3A_165 = %broadcast_in_dim3A_8) -> (vector<16xf32>)  : i32 {
      %add3A_166 = arith.constant 0 : i32
      %add3A_167 = arith.addi %add3A_166, %scan3A_164 : i32
      %add3A_168 = vector.broadcast %add3A_167 : i32 to vector<16xi32>
      %add3A_169 = arith.addi %mul3A_7, %add3A_168 : vector<16xi32>
      %gather3A = tpu.vector_load_idx %arg6[%add3A_169] : memref<25600xf32, #tpu.memory_space<vmem>>[vector<16xi32>], vector<16xf32>,
      %add3A_170 = arith.addf %scan3A_165, %gather3A : vector<16xf32>
      scf.yield %add3A_170 : vector<16xf32>
    }
    %scan3A_13 = arith.constant 200 : i32
    %neg3A = arith.constant 0.000000e+00 : f32
    %neg3A_14 = vector.broadcast %neg3A : f32 to vector<16xf32>
    %neg3A_15 = arith.subf %neg3A_14, %scan3A_12 : vector<16xf32>
    %exp3A = math.exp %neg3A_15 : vector<16xf32>
    %add3A_16 = arith.constant 1.000000e+00 : f32
    %add3A_17 = vector.broadcast %add3A_16 : f32 to vector<16xf32>
    %add3A_18 = arith.addf %add3A_17, %exp3A : vector<16xf32>
    %div3A = arith.constant 1.000000e+00 : f32
    %div3A_19 = vector.broadcast %div3A : f32 to vector<16xf32>
    %div3A_20 = arith.divf %div3A_19, %add3A_18 : vector<16xf32>
    %swap3A = arith.constant 0 : index
    %swap3A_21 = tpu.vector_load %arg7[%swap3A] {strides = array<i32>} : memref<128xf32, #tpu.memory_space<vmem>>, vector<16xf32>,
    tpu.vector_store %arg7[%swap3A], %div3A_20 {strides = array<i32>} : memref<128xf32, #tpu.memory_space<vmem>>, vector<16xf32>,
    %broadcast_in_dim3A_22 = arith.constant 0.000000e+00 : f32
    %broadcast_in_dim3A_23 = vector.broadcast %broadcast_in_dim3A_22 : f32 to vector<16xf32>
    %scan3A_24 = arith.constant 0 : i32
    %scan3A_25 = arith.constant 200 : i32
    %scan3A_26 = arith.addi %scan3A_24, %scan3A_25 : i32
    %scan3A_27 = arith.constant 1 : i32
    %scan3A_28 = scf.for %scan3A_164 = %scan3A_24 to %scan3A_26 step %scan3A_27 iter_args(%scan3A_165 = %broadcast_in_dim3A_23) -> (vector<16xf32>)  : i32 {
      %add3A_166 = arith.constant 3200 : i32
      %add3A_167 = arith.addi %add3A_166, %scan3A_164 : i32
      %add3A_168 = vector.broadcast %add3A_167 : i32 to vector<16xi32>
      %add3A_169 = arith.addi %mul3A_7, %add3A_168 : vector<16xi32>
      %gather3A = tpu.vector_load_idx %arg6[%add3A_169] : memref<25600xf32, #tpu.memory_space<vmem>>[vector<16xi32>], vector<16xf32>,
      %add3A_170 = arith.addf %scan3A_165, %gather3A : vector<16xf32>
      scf.yield %add3A_170 : vector<16xf32>
    }
    %scan3A_29 = arith.constant 200 : i32
    %neg3A_30 = arith.constant 0.000000e+00 : f32
    %neg3A_31 = vector.broadcast %neg3A_30 : f32 to vector<16xf32>
    %neg3A_32 = arith.subf %neg3A_31, %scan3A_28 : vector<16xf32>
    %exp3A_33 = math.exp %neg3A_32 : vector<16xf32>
    %add3A_34 = arith.constant 1.000000e+00 : f32
    %add3A_35 = vector.broadcast %add3A_34 : f32 to vector<16xf32>
    %add3A_36 = arith.addf %add3A_35, %exp3A_33 : vector<16xf32>
    %div3A_37 = arith.constant 1.000000e+00 : f32
    %div3A_38 = vector.broadcast %div3A_37 : f32 to vector<16xf32>
    %div3A_39 = arith.divf %div3A_38, %add3A_36 : vector<16xf32>
    %swap3A_40 = arith.constant 16 : index
    %swap3A_41 = tpu.vector_load %arg7[%swap3A_40] {strides = array<i32>} : memref<128xf32, #tpu.memory_space<vmem>>, vector<16xf32>,
    tpu.vector_store %arg7[%swap3A_40], %div3A_39 {strides = array<i32>} : memref<128xf32, #tpu.memory_space<vmem>>, vector<16xf32>,
    %broadcast_in_dim3A_42 = arith.constant 0.000000e+00 : f32
    %broadcast_in_dim3A_43 = vector.broadcast %broadcast_in_dim3A_42 : f32 to vector<16xf32>
    %scan3A_44 = arith.constant 0 : i32
    %scan3A_45 = arith.constant 200 : i32
    %scan3A_46 = arith.addi %scan3A_44, %scan3A_45 : i32
    %scan3A_47 = arith.constant 1 : i32
    %scan3A_48 = scf.for %scan3A_164 = %scan3A_44 to %scan3A_46 step %scan3A_47 iter_args(%scan3A_165 = %broadcast_in_dim3A_43) -> (vector<16xf32>)  : i32 {
      %add3A_166 = arith.constant 6400 : i32
      %add3A_167 = arith.addi %add3A_166, %scan3A_164 : i32
      %add3A_168 = vector.broadcast %add3A_167 : i32 to vector<16xi32>
      %add3A_169 = arith.addi %mul3A_7, %add3A_168 : vector<16xi32>
      %gather3A = tpu.vector_load_idx %arg6[%add3A_169] : memref<25600xf32, #tpu.memory_space<vmem>>[vector<16xi32>], vector<16xf32>,
      %add3A_170 = arith.addf %scan3A_165, %gather3A : vector<16xf32>
      scf.yield %add3A_170 : vector<16xf32>
    }
    %scan3A_49 = arith.constant 200 : i32
    %neg3A_50 = arith.constant 0.000000e+00 : f32
    %neg3A_51 = vector.broadcast %neg3A_50 : f32 to vector<16xf32>
    %neg3A_52 = arith.subf %neg3A_51, %scan3A_48 : vector<16xf32>
    %exp3A_53 = math.exp %neg3A_52 : vector<16xf32>
    %add3A_54 = arith.constant 1.000000e+00 : f32
    %add3A_55 = vector.broadcast %add3A_54 : f32 to vector<16xf32>
    %add3A_56 = arith.addf %add3A_55, %exp3A_53 : vector<16xf32>
    %div3A_57 = arith.constant 1.000000e+00 : f32
    %div3A_58 = vector.broadcast %div3A_57 : f32 to vector<16xf32>
    %div3A_59 = arith.divf %div3A_58, %add3A_56 : vector<16xf32>
    %swap3A_60 = arith.constant 32 : index
    %swap3A_61 = tpu.vector_load %arg7[%swap3A_60] {strides = array<i32>} : memref<128xf32, #tpu.memory_space<vmem>>, vector<16xf32>,
    tpu.vector_store %arg7[%swap3A_60], %div3A_59 {strides = array<i32>} : memref<128xf32, #tpu.memory_space<vmem>>, vector<16xf32>,
    %broadcast_in_dim3A_62 = arith.constant 0.000000e+00 : f32
    %broadcast_in_dim3A_63 = vector.broadcast %broadcast_in_dim3A_62 : f32 to vector<16xf32>
    %scan3A_64 = arith.constant 0 : i32
    %scan3A_65 = arith.constant 200 : i32
    %scan3A_66 = arith.addi %scan3A_64, %scan3A_65 : i32
    %scan3A_67 = arith.constant 1 : i32
    %scan3A_68 = scf.for %scan3A_164 = %scan3A_64 to %scan3A_66 step %scan3A_67 iter_args(%scan3A_165 = %broadcast_in_dim3A_63) -> (vector<16xf32>)  : i32 {
      %add3A_166 = arith.constant 9600 : i32
      %add3A_167 = arith.addi %add3A_166, %scan3A_164 : i32
      %add3A_168 = vector.broadcast %add3A_167 : i32 to vector<16xi32>
      %add3A_169 = arith.addi %mul3A_7, %add3A_168 : vector<16xi32>
      %gather3A = tpu.vector_load_idx %arg6[%add3A_169] : memref<25600xf32, #tpu.memory_space<vmem>>[vector<16xi32>], vector<16xf32>,
      %add3A_170 = arith.addf %scan3A_165, %gather3A : vector<16xf32>
      scf.yield %add3A_170 : vector<16xf32>
    }
    %scan3A_69 = arith.constant 200 : i32
    %neg3A_70 = arith.constant 0.000000e+00 : f32
    %neg3A_71 = vector.broadcast %neg3A_70 : f32 to vector<16xf32>
    %neg3A_72 = arith.subf %neg3A_71, %scan3A_68 : vector<16xf32>
    %exp3A_73 = math.exp %neg3A_72 : vector<16xf32>
    %add3A_74 = arith.constant 1.000000e+00 : f32
    %add3A_75 = vector.broadcast %add3A_74 : f32 to vector<16xf32>
    %add3A_76 = arith.addf %add3A_75, %exp3A_73 : vector<16xf32>
    %div3A_77 = arith.constant 1.000000e+00 : f32
    %div3A_78 = vector.broadcast %div3A_77 : f32 to vector<16xf32>
    %div3A_79 = arith.divf %div3A_78, %add3A_76 : vector<16xf32>
    %swap3A_80 = arith.constant 48 : index
    %swap3A_81 = tpu.vector_load %arg7[%swap3A_80] {strides = array<i32>} : memref<128xf32, #tpu.memory_space<vmem>>, vector<16xf32>,
    tpu.vector_store %arg7[%swap3A_80], %div3A_79 {strides = array<i32>} : memref<128xf32, #tpu.memory_space<vmem>>, vector<16xf32>,
    %broadcast_in_dim3A_82 = arith.constant 0.000000e+00 : f32
    %broadcast_in_dim3A_83 = vector.broadcast %broadcast_in_dim3A_82 : f32 to vector<16xf32>
    %scan3A_84 = arith.constant 0 : i32
    %scan3A_85 = arith.constant 200 : i32
    %scan3A_86 = arith.addi %scan3A_84, %scan3A_85 : i32
    %scan3A_87 = arith.constant 1 : i32
    %scan3A_88 = scf.for %scan3A_164 = %scan3A_84 to %scan3A_86 step %scan3A_87 iter_args(%scan3A_165 = %broadcast_in_dim3A_83) -> (vector<16xf32>)  : i32 {
      %add3A_166 = arith.constant 12800 : i32
      %add3A_167 = arith.addi %add3A_166, %scan3A_164 : i32
      %add3A_168 = vector.broadcast %add3A_167 : i32 to vector<16xi32>
      %add3A_169 = arith.addi %mul3A_7, %add3A_168 : vector<16xi32>
      %gather3A = tpu.vector_load_idx %arg6[%add3A_169] : memref<25600xf32, #tpu.memory_space<vmem>>[vector<16xi32>], vector<16xf32>,
      %add3A_170 = arith.addf %scan3A_165, %gather3A : vector<16xf32>
      scf.yield %add3A_170 : vector<16xf32>
    }
    %scan3A_89 = arith.constant 200 : i32
    %neg3A_90 = arith.constant 0.000000e+00 : f32
    %neg3A_91 = vector.broadcast %neg3A_90 : f32 to vector<16xf32>
    %neg3A_92 = arith.subf %neg3A_91, %scan3A_88 : vector<16xf32>
    %exp3A_93 = math.exp %neg3A_92 : vector<16xf32>
    %add3A_94 = arith.constant 1.000000e+00 : f32
    %add3A_95 = vector.broadcast %add3A_94 : f32 to vector<16xf32>
    %add3A_96 = arith.addf %add3A_95, %exp3A_93 : vector<16xf32>
    %div3A_97 = arith.constant 1.000000e+00 : f32
    %div3A_98 = vector.broadcast %div3A_97 : f32 to vector<16xf32>
    %div3A_99 = arith.divf %div3A_98, %add3A_96 : vector<16xf32>
    %swap3A_100 = arith.constant 64 : index
    %swap3A_101 = tpu.vector_load %arg7[%swap3A_100] {strides = array<i32>} : memref<128xf32, #tpu.memory_space<vmem>>, vector<16xf32>,
    tpu.vector_store %arg7[%swap3A_100], %div3A_99 {strides = array<i32>} : memref<128xf32, #tpu.memory_space<vmem>>, vector<16xf32>,
    %broadcast_in_dim3A_102 = arith.constant 0.000000e+00 : f32
    %broadcast_in_dim3A_103 = vector.broadcast %broadcast_in_dim3A_102 : f32 to vector<16xf32>
    %scan3A_104 = arith.constant 0 : i32
    %scan3A_105 = arith.constant 200 : i32
    %scan3A_106 = arith.addi %scan3A_104, %scan3A_105 : i32
    %scan3A_107 = arith.constant 1 : i32
    %scan3A_108 = scf.for %scan3A_164 = %scan3A_104 to %scan3A_106 step %scan3A_107 iter_args(%scan3A_165 = %broadcast_in_dim3A_103) -> (vector<16xf32>)  : i32 {
      %add3A_166 = arith.constant 16000 : i32
      %add3A_167 = arith.addi %add3A_166, %scan3A_164 : i32
      %add3A_168 = vector.broadcast %add3A_167 : i32 to vector<16xi32>
      %add3A_169 = arith.addi %mul3A_7, %add3A_168 : vector<16xi32>
      %gather3A = tpu.vector_load_idx %arg6[%add3A_169] : memref<25600xf32, #tpu.memory_space<vmem>>[vector<16xi32>], vector<16xf32>,
      %add3A_170 = arith.addf %scan3A_165, %gather3A : vector<16xf32>
      scf.yield %add3A_170 : vector<16xf32>
    }
    %scan3A_109 = arith.constant 200 : i32
    %neg3A_110 = arith.constant 0.000000e+00 : f32
    %neg3A_111 = vector.broadcast %neg3A_110 : f32 to vector<16xf32>
    %neg3A_112 = arith.subf %neg3A_111, %scan3A_108 : vector<16xf32>
    %exp3A_113 = math.exp %neg3A_112 : vector<16xf32>
    %add3A_114 = arith.constant 1.000000e+00 : f32
    %add3A_115 = vector.broadcast %add3A_114 : f32 to vector<16xf32>
    %add3A_116 = arith.addf %add3A_115, %exp3A_113 : vector<16xf32>
    %div3A_117 = arith.constant 1.000000e+00 : f32
    %div3A_118 = vector.broadcast %div3A_117 : f32 to vector<16xf32>
    %div3A_119 = arith.divf %div3A_118, %add3A_116 : vector<16xf32>
    %swap3A_120 = arith.constant 80 : index
    %swap3A_121 = tpu.vector_load %arg7[%swap3A_120] {strides = array<i32>} : memref<128xf32, #tpu.memory_space<vmem>>, vector<16xf32>,
    tpu.vector_store %arg7[%swap3A_120], %div3A_119 {strides = array<i32>} : memref<128xf32, #tpu.memory_space<vmem>>, vector<16xf32>,
    %broadcast_in_dim3A_122 = arith.constant 0.000000e+00 : f32
    %broadcast_in_dim3A_123 = vector.broadcast %broadcast_in_dim3A_122 : f32 to vector<16xf32>
    %scan3A_124 = arith.constant 0 : i32
    %scan3A_125 = arith.constant 200 : i32
    %scan3A_126 = arith.addi %scan3A_124, %scan3A_125 : i32
    %scan3A_127 = arith.constant 1 : i32
    %scan3A_128 = scf.for %scan3A_164 = %scan3A_124 to %scan3A_126 step %scan3A_127 iter_args(%scan3A_165 = %broadcast_in_dim3A_123) -> (vector<16xf32>)  : i32 {
      %add3A_166 = arith.constant 19200 : i32
      %add3A_167 = arith.addi %add3A_166, %scan3A_164 : i32
      %add3A_168 = vector.broadcast %add3A_167 : i32 to vector<16xi32>
      %add3A_169 = arith.addi %mul3A_7, %add3A_168 : vector<16xi32>
      %gather3A = tpu.vector_load_idx %arg6[%add3A_169] : memref<25600xf32, #tpu.memory_space<vmem>>[vector<16xi32>], vector<16xf32>,
      %add3A_170 = arith.addf %scan3A_165, %gather3A : vector<16xf32>
      scf.yield %add3A_170 : vector<16xf32>
    }
    %scan3A_129 = arith.constant 200 : i32
    %neg3A_130 = arith.constant 0.000000e+00 : f32
    %neg3A_131 = vector.broadcast %neg3A_130 : f32 to vector<16xf32>
    %neg3A_132 = arith.subf %neg3A_131, %scan3A_128 : vector<16xf32>
    %exp3A_133 = math.exp %neg3A_132 : vector<16xf32>
    %add3A_134 = arith.constant 1.000000e+00 : f32
    %add3A_135 = vector.broadcast %add3A_134 : f32 to vector<16xf32>
    %add3A_136 = arith.addf %add3A_135, %exp3A_133 : vector<16xf32>
    %div3A_137 = arith.constant 1.000000e+00 : f32
    %div3A_138 = vector.broadcast %div3A_137 : f32 to vector<16xf32>
    %div3A_139 = arith.divf %div3A_138, %add3A_136 : vector<16xf32>
    %swap3A_140 = arith.constant 96 : index
    %swap3A_141 = tpu.vector_load %arg7[%swap3A_140] {strides = array<i32>} : memref<128xf32, #tpu.memory_space<vmem>>, vector<16xf32>,
    tpu.vector_store %arg7[%swap3A_140], %div3A_139 {strides = array<i32>} : memref<128xf32, #tpu.memory_space<vmem>>, vector<16xf32>,
    %broadcast_in_dim3A_142 = arith.constant 0.000000e+00 : f32
    %broadcast_in_dim3A_143 = vector.broadcast %broadcast_in_dim3A_142 : f32 to vector<16xf32>
    %scan3A_144 = arith.constant 0 : i32
    %scan3A_145 = arith.constant 200 : i32
    %scan3A_146 = arith.addi %scan3A_144, %scan3A_145 : i32
    %scan3A_147 = arith.constant 1 : i32
    %scan3A_148 = scf.for %scan3A_164 = %scan3A_144 to %scan3A_146 step %scan3A_147 iter_args(%scan3A_165 = %broadcast_in_dim3A_143) -> (vector<16xf32>)  : i32 {
      %add3A_166 = arith.constant 22400 : i32
      %add3A_167 = arith.addi %add3A_166, %scan3A_164 : i32
      %add3A_168 = vector.broadcast %add3A_167 : i32 to vector<16xi32>
      %add3A_169 = arith.addi %mul3A_7, %add3A_168 : vector<16xi32>
      %gather3A = tpu.vector_load_idx %arg6[%add3A_169] : memref<25600xf32, #tpu.memory_space<vmem>>[vector<16xi32>], vector<16xf32>,
      %add3A_170 = arith.addf %scan3A_165, %gather3A : vector<16xf32>
      scf.yield %add3A_170 : vector<16xf32>
    }
    %scan3A_149 = arith.constant 200 : i32
    %neg3A_150 = arith.constant 0.000000e+00 : f32
    %neg3A_151 = vector.broadcast %neg3A_150 : f32 to vector<16xf32>
    %neg3A_152 = arith.subf %neg3A_151, %scan3A_148 : vector<16xf32>
    %exp3A_153 = math.exp %neg3A_152 : vector<16xf32>
    %add3A_154 = arith.constant 1.000000e+00 : f32
    %add3A_155 = vector.broadcast %add3A_154 : f32 to vector<16xf32>
    %add3A_156 = arith.addf %add3A_155, %exp3A_153 : vector<16xf32>
    %div3A_157 = arith.constant 1.000000e+00 : f32
    %div3A_158 = vector.broadcast %div3A_157 : f32 to vector<16xf32>
    %div3A_159 = arith.divf %div3A_158, %add3A_156 : vector<16xf32>
    %swap3A_160 = arith.constant 112 : index
    %swap3A_161 = tpu.vector_load %arg7[%swap3A_160] {strides = array<i32>} : memref<128xf32, #tpu.memory_space<vmem>>, vector<16xf32>,
    tpu.vector_store %arg7[%swap3A_160], %div3A_159 {strides = array<i32>} : memref<128xf32, #tpu.memory_space<vmem>>, vector<16xf32>,
    %mul3A_162 = arith.constant 128 : i32
    %mul3A_163 = arith.muli %add3A, %mul3A_162 : i32
    "tpu.region"() ({
      %run_scoped3A = tpu.sem_alloc : memref<!tpu.dma_semaphore, #tpu.memory_space<semaphore_mem>>
      %dma_start3A_164 = tpu.memref_slice %arg4[%mul3A_163] : memref<4096xf32, #tpu.memory_space<hbm>> -> memref<128xf32, #tpu.memory_space<hbm>>
      %dma_start3A_165 = tpu.memref_slice %arg4[%mul3A_163] : memref<4096xf32, #tpu.memory_space<hbm>> -> memref<128xf32, #tpu.memory_space<hbm>>
      tpu.enqueue_dma source(%arg7 : memref<128xf32, #tpu.memory_space<vmem>>) target(%dma_start3A_165 : memref<128xf32, #tpu.memory_space<hbm>>) target_semaphore(%run_scoped3A : memref<!tpu.dma_semaphore, #tpu.memory_space<semaphore_mem>>)
      %dma_wait3A_166 = tpu.memref_slice %arg4[%mul3A_163] : memref<4096xf32, #tpu.memory_space<hbm>> -> memref<128xf32, #tpu.memory_space<hbm>>
      %dma_wait3A_167 = tpu.memref_slice %arg4[%mul3A_163] : memref<4096xf32, #tpu.memory_space<hbm>> -> memref<128xf32, #tpu.memory_space<hbm>>
      tpu.wait_dma2 semaphore(%run_scoped3A : memref<!tpu.dma_semaphore, #tpu.memory_space<semaphore_mem>>) src(%arg7 : memref<128xf32, #tpu.memory_space<vmem>>) dst(%dma_wait3A_167 : memref<128xf32, #tpu.memory_space<hbm>>)
      tpu.yield
    }) : () -> ()
    return
  }
}

module attributes {stable_mosaic.version = 14 : i64} {
  func.func @_mv_body(%arg0: i32, %arg1: memref<1x32xf32, #tpu.memory_space<vmem>>, %arg2: memref<16384x32xf32, #tpu.memory_space<vmem>>, %arg3: memref<1x1xf32, #tpu.memory_space<smem>>, %arg4: memref<16384xf32, #tpu.memory_space<vmem>>) attributes {dimension_semantics = [#tpu.dimension_semantics<arbitrary>], iteration_bounds = array<i64: 62>, scalar_prefetch = 0 : i64, scratch_operands = 0 : i64, tpu.core_type = #tpu.core_type<tc>, window_params = [{pipeline_mode = #tpu.pipeline_mode<synchronous>, transform_indices = @transform_0, window_bounds = array<i64: 1, 32>}, {transform_indices = @transform_1, window_bounds = array<i64: 16384, 32>}, {transform_indices = @transform_2, window_bounds = array<i64: 1, 1>}, {transform_indices = @transform_3, window_bounds = array<i64: 16384>}]} {
    %get3A = arith.constant 0 : index
    %get3A_0 = arith.constant 0 : index
    %get3A_1 = vector.load %arg1[%get3A, %get3A_0] : memref<1x32xf32, #tpu.memory_space<vmem>>, vector<1x32xf32>
    %get3A_2 = arith.constant 0 : index
    %get3A_3 = arith.constant 0 : index
    %get3A_4 = vector.load %arg2[%get3A_2, %get3A_3] : memref<16384x32xf32, #tpu.memory_space<vmem>>, vector<16384x32xf32>
    %dot_general3A = arith.constant dense<0.000000e+00> : vector<1x16384xf32>
    %dot_general3A_5 = tpu.matmul %get3A_1, %get3A_4, %dot_general3A {dimension_numbers = #tpu.dot_dimension_numbers<[1], [1], [0], [0], [0, 0, 1, 0], [], []>, transpose_lhs_hint = false} : vector<1x32xf32>, vector<16384x32xf32>, vector<1x16384xf32> -> vector<1x16384xf32>
    %get3A_6 = arith.constant 0 : index
    %get3A_7 = arith.constant 0 : index
    %get3A_8 = memref.load %arg3[%get3A_6, %get3A_7] : memref<1x1xf32, #tpu.memory_space<smem>>
    %add3A = vector.broadcast %get3A_8 : f32 to vector<1x16384xf32>
    %add3A_9 = arith.addf %dot_general3A_5, %add3A : vector<1x16384xf32>
    %reshape3A = vector.shape_cast %add3A_9 : vector<1x16384xf32> to vector<16384xf32>
    %swap3A = arith.constant 0 : index
    %swap3A_10 = vector.load %arg4[%swap3A] : memref<16384xf32, #tpu.memory_space<vmem>>, vector<16384xf32>
    tpu.vector_store %arg4[%swap3A], %reshape3A {strides = array<i32>} : memref<16384xf32, #tpu.memory_space<vmem>>, vector<16384xf32>,
    return
  }
  func.func @transform_0(%arg0: i32) -> (i32, i32) {
    %c0_i32 = arith.constant 0 : i32
    %c0_i32_0 = arith.constant 0 : i32
    %c0_i32_1 = arith.constant 0 : i32
    return %c0_i32, %c0_i32_0 : i32, i32
  }
  func.func @transform_1(%arg0: i32) -> (i32, i32) {
    %c0_i32 = arith.constant 0 : i32
    %c0_i32_0 = arith.constant 0 : i32
    return %arg0, %c0_i32 : i32, i32
  }
  func.func @transform_2(%arg0: i32) -> (i32, i32) {
    %c0_i32 = arith.constant 0 : i32
    %c0_i32_0 = arith.constant 0 : i32
    %c0_i32_1 = arith.constant 0 : i32
    return %c0_i32, %c0_i32_0 : i32, i32
  }
  func.func @transform_3(%arg0: i32) -> i32 {
    %c0_i32 = arith.constant 0 : i32
    return %arg0 : i32
  }
}

</mosaic_0001>

<sc_bundles>
// kernel: kernel.4.cloned.1.call-start
scs
__scs_entry_jumppad:
0x0: {  	(pc) =	sbr.rel $0x88, $3  }
0x1: {  	(tag) =	ssettag $0x0;
	lr =	simm.s32 $0x1  }
0x2: {  	[smem:$0x3F9D] =	sst lr;
	_ =	strace $0xD0000000  }
0x3: {  	_ = 	snop  }
0x4: {  	_ = 	snop  }
0x5: {  	_ = 	snop  }
0x6: {  	_ = 	snop  }
0x7: {  	_ = 	snop  }
__scs_overlays_trampoline_lowered:
0x8: {  	[smem:$0x3FAC] =	sst s0  }
0x9: {  	[smem:$0x3FAD] =	sst s1  }
0xa: {  	[smem:$0x3FAE] =	sst s2  }
0xb: {  	[smem:$0x3FAF] =	sst s3  }
0xc: {  	[smem:$0x3FB0] =	sst s4  }
0xd: {  	[smem:$0x3FB1] =	sst s5  }
0xe: {  	[smem:$0x3FB2] =	sst s6  }
0xf: {  	[smem:$0x3FB3] =	sst s7  }
0x10: {  	[smem:$0x3FB4] =	sst s8  }
0x11: {  	[smem:$0x3FB5] =	sst s9;
	s0 =	simm.s32 @!p0 $0x0  }
0x12: {  	s1 =	sld [smem:$0x3F9B];
	s0 =	simm.s32 @p0 $0x1  }
0x13: {  	[smem:$0x3FB6] =	sst s0;
	s0 =	simm.s32 @!p1 $0x0  }
0x14: {  	s2 =	sld [smem:$0x3F9A];
	s0 =	simm.s32 @p1 $0x1  }
0x15: {  	[smem:$0x3FB7] =	sst s0;
	s0 =	simm.s32 @!p2 $0x0  }
0x16: {  	s3 =	sld [smem:$0x3FDB];
	s0 =	simm.s32 @p2 $0x1  }
0x17: {  	s4 =	simm.s32 $0x1BF5;
	[smem:$0x3FB9] =	sst s0  }
0x18: {  	s0 =	sld [smem:$0x3F9C];
	_ =	swait.ge [sflag:s4], $0x0  }
0x19: {  	s7 =	sld [smem:$0x3F9D]  }
0x1a: {  	s8 =	sadd.s32 $0xFFFFE003, lr  }
0x1b: {  	s9 =	sadd.s32 $0xFFFFFEF7, lr;
	s5 =	simm.s32 $0xFFFFFFFF;
	p2 =	slt.u32 s8, $0xFFFFF086  }
0x1c: {  	p1 =	slt.u32 s9, $0xF7A;
	s5 =	simm.s32 @!p2 $0x0  }
0x1d: {  	s5 =	simm.s32 @p1 $0x1;
	p0 =	seq.s32 s7, s2  }
0x1e: {  	s7 =	smul.u32 @!p0 $0xF7A, s2;
	p2 =	seq.s32 @!p0 s5, $0x0  }
0x1f: {  	s9 =	smul.u32 $0xF7A, s1;
	s8 =	simm.s32 @!p0 $0x1BF5;
	p2 =	por !p2, p0  }
0x20: {  	[sflag:s8] =	ssyncset.s32 @!p0 $0xFFFFF086;
	s6 =	sadd.s32 @!p0 s3, s7;
	s7 =	simm.s32 @!p0 $0x108  }
0x21: {  	s3 =	sadd.s32 s3, s9;
	s6 =	sadd.s32 @!p0 $0x88, s6;
	s7 =	simm.s32 @p2 $0x1082  }
0x22: {  	[simem:s7], [sflag:s8] =	dma.local @!p0 [hbm:s6], $0xF7A  }
0x23: {  	s9 =	sor.u32 $0xD0000000, s2;
	s6 =	simm.s32 $0x108;
	_ =	swait.ge @!p0 [sflag:s8], $0x0  }
0x24: {  	s3 =	sadd.s32 $0x88, s3;
	s6 =	simm.s32 @!p1 $0x1082;
	[sflag:s4] =	ssyncset.s32 $0xFFFFF086  }
0x25: {  	[simem:s6], [sflag:s4] =	dma.local [hbm:s3], $0xF7A  }
0x26: {  	[smem:$0x3F9D] =	sst s1;
	(tag) =	ssettag s2;
	_ =	strace s9  }
0x27: {  	s1 =	sld [smem:$0x3FAD]  }
0x28: {  	s2 =	sld [smem:$0x3FAE]  }
0x29: {  	s4 =	sld [smem:$0x3FB0]  }
0x2a: {  	p0 =	seq.s32 s5, $0x0;
	s5 =	sld [smem:$0x3FB1]  }
0x2b: {  	s6 =	sld [smem:$0x3FB2]  }
0x2c: {  	s7 =	sld [smem:$0x3FB3]  }
0x2d: {  	s3 =	simm.s32 $0x108;
	s8 =	sld [smem:$0x3FB4]  }
0x2e: {  	s3 =	simm.s32 @!p0 $0x1082;
	s9 =	sld [smem:$0x3FB5]  }
0x2f: {  	lr =	sadd.s32 s0, s3;
	s0 =	sld [smem:$0x3FAC]  }
0x30: {  	s3 =	sld [smem:$0x3FAF]  }
0x31: {  	[smem:$0x3FB8] =	sst s10  }
0x32: {  	s10 =	sld [smem:$0x3FB6];
	_ =	sdelay $0x3  }
0x33: {  	p0 =	seq.s32 s10, $0x1;
	s10 =	sld [smem:$0x3FB8];
	_ =	sdelay $0x3  }
0x34: {  	[smem:$0x3FB8] =	sst s10  }
0x35: {  	s10 =	sld [smem:$0x3FB7];
	_ =	sdelay $0x3  }
0x36: {  	p1 =	seq.s32 s10, $0x1;
	s10 =	sld [smem:$0x3FB8];
	_ =	sdelay $0x3  }
0x37: {  	[smem:$0x3FB8] =	sst s10  }
0x38: {  	s10 =	sld [smem:$0x3FB9]  }
0x39: {  	_ = 	snop;
	(pc) =	sbr.ind lr, $3  }
0x3a: {  	_ = 	snop  }
0x3b: {  	_ = 	snop  }
0x3c: {  	p2 =	seq.s32 s10, $0x1;
	s10 =	sld [smem:$0x3FB8]  }
0x3d: {  	_ =	shalt  }
0x3e: {  	_ =	shalt  }
0x3f: {  	_ =	shalt  }
0x40: {  	_ =	shalt  }
0x41: {  	_ =	shalt  }
0x42: {  	_ =	shalt  }
0x43: {  	_ =	shalt  }
0x44: {  	_ =	shalt  }
0x45: {  	_ =	shalt  }
0x46: {  	_ =	shalt  }
0x47: {  	_ =	shalt  }
0x48: {  	_ =	shalt  }
0x49: {  	_ =	shalt  }
0x4a: {  	_ =	shalt  }
0x4b: {  	_ =	shalt  }
0x4c: {  	_ =	shalt  }
0x4d: {  	_ =	shalt  }
0x4e: {  	_ =	shalt  }
0x4f: {  	_ =	shalt  }
0x50: {  	_ =	shalt  }
0x51: {  	_ =	shalt  }
0x52: {  	_ =	shalt  }
0x53: {  	_ =	shalt  }
0x54: {  	_ =	shalt  }
0x55: {  	_ =	shalt  }
0x56: {  	_ =	shalt  }
0x57: {  	_ =	shalt  }
0x58: {  	_ =	shalt  }
0x59: {  	_ =	shalt  }
0x5a: {  	_ =	shalt  }
0x5b: {  	_ =	shalt  }
0x5c: {  	_ =	shalt  }
0x5d: {  	_ =	shalt  }
0x5e: {  	_ =	shalt  }
0x5f: {  	_ =	shalt  }
0x60: {  	_ =	shalt  }
0x61: {  	_ =	shalt  }
0x62: {  	_ =	shalt  }
0x63: {  	_ =	shalt  }
0x64: {  	_ =	shalt  }
0x65: {  	_ =	shalt  }
0x66: {  	_ =	shalt  }
0x67: {  	_ =	shalt  }
0x68: {  	_ =	shalt  }
0x69: {  	_ =	shalt  }
0x6a: {  	_ =	shalt  }
0x6b: {  	_ =	shalt  }
0x6c: {  	_ =	shalt  }
0x6d: {  	_ =	shalt  }
0x6e: {  	_ =	shalt  }
0x6f: {  	_ =	shalt  }
0x70: {  	_ =	shalt  }
0x71: {  	_ =	shalt  }
0x72: {  	_ =	shalt  }
0x73: {  	_ =	shalt  }
0x74: {  	_ =	shalt  }
0x75: {  	_ =	shalt  }
0x76: {  	_ =	shalt  }
0x77: {  	_ =	shalt  }
0x78: {  	_ =	shalt  }
0x79: {  	_ =	shalt  }
0x7a: {  	_ =	shalt  }
0x7b: {  	_ =	shalt  }
0x7c: {  	_ =	shalt  }
0x7d: {  	_ =	shalt  }
0x7e: {  	_ =	shalt  }
0x7f: {  	_ =	shalt  }
0x80: {  	_ =	shalt  }
0x81: {  	_ =	shalt  }
0x82: {  	_ =	shalt  }
0x83: {  	_ =	shalt  }
0x84: {  	_ =	shalt  }
0x85: {  	_ =	shalt  }
0x86: {  	_ =	shalt  }
0x87: {  	_ =	shalt  }
.Lfunc_end0:
.L_simem_size_0:
called_computation_lowered:
.L_overlay_start_0:
0x88: {  	s2 =	sld [smem:$0x3FD9]  }
0x89: {  	s3 =	sld [smem:$0x3FFE];
	_ =	sdelay $0x1  }
0x8a: {  	s1 =	srdreg.scid  }
0x8b: {  	s0 =	sand.u32 $0x1, s1  }
0x8c: {  	s17 =	sshll.u32 s0, $0xA;
	s2 =	sadd.s32 s3, s2  }
0x8d: {  	s2 =	sadd.s32 s2, s17  }
0x8e: {  	[smem:$0x3FC4] =	sst s2  }
0x8f: {  	_ = 	snop  }
0x90: {  	s2 =	sld [smem:$0x3FD0];
	(tm) =	ssettm $0x1  }
0x91: {  	s18 =	sld [smem:$0x3FFB];
	_ =	sdelay $0x3  }
0x92: {  	_ =	strace s18  }
0x93: {  	s3 =	sld [smem:$0x3FFC];
	_ =	sdelay $0x3  }
0x94: {  	_ =	strace s3  }
0x95: {  	s3 =	sld [smem:$0x3FFD];
	_ =	sdelay $0x3  }
0x96: {  	_ =	strace s3  }
0x97: {  	_ =	strace $0x8FFFFFFF  }
0x98: {  	s19 =	sld [smem:$0x3FDB];
	_ =	sdelay $0x1  }
0x99: {  	s4 =	simm.s32 $_scs_section_size  }
0x9a: {  	s5 =	simm.s32 $_size__tile_overlayer_lowered;
	s6 =	simm.s32 $_tile_overlayer_lowered  }
0x9b: {  	s22 =	simm.s32 $0x1BFF;
	s21 =	sshll.u32 s6, $0x1;
	s3 =	sadd.s32 s4, s19  }
0x9c: {  	s7 =	simm.s32 $0x0;
	s20 =	sshll.u32 s5, $0x1;
	s5 =	sadd.s32 s21, s3  }
0x9d: {  	[timem:s7], [sflag:s22] =	dma.local [hbm:s5], s20  }
0x9e: {  	_ =	swait.ge [sflag:s22], s20  }
0x9f: {  	s4 =	ssub.s32 $0x0, s20;
	[sflag:s22] =	ssyncset.done $0x0  }
0xa0: {  	[sflag:s22] =	ssyncadd.s32 s4;
	_ =	sdelay $0x1  }
0xa1: {  	s23 =	simm.s32 $0x1B8B  }
0xa2: {  	_ =	swait.ge [sflag:s23], $0x1  }
0xa3: {  	[sflag:s23] =	ssyncset.done $0x0  }
0xa4: {  	s25 =	simm.s32 $0x1B8E;
	s24 =	sld [smem:$0x3FFE];
	[sflag:s23] =	ssyncadd.s32 $0xFFFFFFFF  }
0xa5: {  	s26 =	simm.s32 $execute0_lowered;
	[smem:$0x3FD2] =	sst s25  }
0xa6: {  	s5 =	sshll.u32 s26, $0x1;
	_ =	strace $0x80000046;
	[dreg:$0x1] =	wrdreg $0xFFFFFFFF  }
0xa7: {  	s28 =	simm.s32 $_size_execute0_lowered;
	s3 =	sadd.s32 s3, s5;
	[dreg:$0x0] =	wrdreg $0x0  }
0xa8: {  	s5 =	sshll.u32 s28, $0x1;
	[dreg:$0x2] =	wrdreg s3  }
0xa9: {  	[dreg:$0x3] =	wrdreg s5  }
0xaa: {  	[dreg:$0x4] =	wrdreg $0xC0  }
0xab: {  	_ =	task [dreg:s7], $0x5FFFF  }
0xac: {  	[dreg:$0x1] =	wrdreg $0xFFFFFFFF  }
0xad: {  	[dreg:$0x0] =	wrdreg $0x60  }
0xae: {  	[dreg:$0x2] =	wrdreg s24  }
0xaf: {  	[dreg:$0x3] =	wrdreg s2  }
0xb0: {  	[dreg:$0x4] =	wrdreg $0x9  }
0xb1: {  	_ =	task.clear_ibuf [dreg:s7], $0x5FFFF;
	_ =	strace $0x90000046  }
0xb2: {  	s29 =	simm.s32 $0x9;
	_ =	strace $0x80000048  }
0xb3: {  	_ =	swait.ge [sflag:s29], $0x1  }
0xb4: {  	[sflag:s29] =	ssyncadd.s32 $0xFFFFFFFF  }
0xb5: {  	_ =	strace $0x90000048  }
0xb6: {  	_ =	sfence  }
0xb7: {  	s30 =	sld [smem:$0x0];
	_ =	sdelay $0x2  }
0xb8: {  	s31 =	sshll.u32 s1, $0xD;
	s1 =	sshrl.u32 s1, $0x2  }
0xb9: {  	s3 =	sand.u32 $0x4000, s31;
	s1 =	sadd.s32 s1, s30  }
0xba: {  	s0 =	sor.u32 s3, s0;
	s1 =	sshll.u32 s1, $0x11  }
0xbb: {  	s0 =	sor.u32 s1, s0  }
0xbc: {  	s0 =	sadd.s32 $0x8F2B, s0  }
0xbd: {  	[sflag:s0] =	ssyncadd.remote.s32 $0x1  }
0xbe: {  	_ =	sfence.sel $0xFFFF  }
0xbf: {  	[dreg:$0x0] =	wrdreg $0xFFFFFFFF;
	(pc) =	sbr.abs _section_cstart, $3  }
0xc0: {  	[dreg:$0x1] =	wrdreg $0xFFFFFFFF  }
0xc1: {  	_ =	task.clear_ibuf [dreg:s7], $0x2FFFF;
	_ =	strace $0x9FFFFFFF  }
0xc2: {  	(tm) =	ssettm $0x7FFFFFFF  }
0xc3: {  	_ =	shalt  }
tec
execute0_lowered:
.L_overlay_start_1:
0x0: {  	(tag) =	ssettag $0x1  }
0x1: {  	s1 =	srdreg.scid;
	s3 =	rddreg [dreg:$0x0]  }
0x2: {  	s0 =	stileid.u32;
	s5 =	rddreg [dreg:$0x1];
	s2 =	simm.s32 $0x0  }
0x3: {  	s9 =	simm.s32 $0x1;
	s10 =	simm.s32 $0xC800;
	s11 =	simm.s32 $0x0  }
0x4: {  	s4 =	sand.u32 $0x1, s1;
	s31 =	sshll.u32 s0, $0x1;
	s1 =	rddreg [dreg:$0x2]  }
0x5: {  	[smem:$0x7FF] =	sst s2;
	s6 =	sor.u32 s4, s31;
	s4 =	ssub.s32 $0x2, s4  }
0x6: {  	s7 =	smul.u32 $0xC80, s6;
	s8 =	sshrl.u32 s4, $0x1;
	s6 =	sshll.u32 s6, $0x4  }
0x7: {  	v0 =	vlaneseq.u32;
	_ =	strace $0x80000047;
	s8 =	ssub.s32 s4, s8;
	s5 =	sadd.s32 s5, s6  }
0x8: {  	v0 =	vmul.u32 $0xC8, v0;
	s7 =	sadd.s32 s7, s3;
	s3 =	sadd.s32 $0xA00, s3;
	s6 =	smax.u32 s8, $0x1  }
0x9: {  	s8 =	simm.s32 $0x6400;
	s4 =	sadd.s32 $0xF42E00, s7;
	s7 =	simm.s32 $0x2  }
.LBB2_1:
0xa: {  	[tilespmem:s2], [sflag:$0x2] =	stream.linear.gather [hbm4b:s4+s2], $0x6400, $0x38;
	[tilespmem:$0xC880] =	vst v63  }
0xb: {  	_ =	swait.ge [sflag:s7], $0x6400  }
0xc: {  	[sflag:s7] =	ssyncset.done $0x0  }
0xd: {  	v2 =	vadd.s32 s2, v0;
	[sflag:s7] =	ssyncadd.s32 $0xFFFF9C00  }
0xe: {  	[tilespmem:s8], [sflag:$0x1] =	stream.indirect.gather [hbm4b:s3+s8], $0x1, s2, s8, $0xb8;
	[tilespmem:$0xC880] =	vst v63  }
0xf: {  	_ =	swait.ge [sflag:s9], $0x6400  }
0x10: {  	[sflag:s9] =	ssyncset.done $0x0  }
0x11: {  	[sflag:s9] =	ssyncadd.s32 $0xFFFF9C00  }
0x12: {  	v1 =	vimm.f32 $0.0e+00;
	s12 =	simm.s32 $0x1;
	v2 =	vld.idx.msk [tilespmem:v2+s8+$0x0], $0xffff  }
.LBB2_2:
0x13: {  	v3 =	vadd.s32 s12, v0;
	p0 =	sne.s32 s12, $0xC7;
	s12 =	sadd.s32 $0x1, s12  }
.Ltmp0:
0x14: {  	(pc) =	sbr.rel @p0 .LBB2_2-.Ltmp0, $2  }
0x15: {  	_ =	sdelay $0x2  }
0x16: {  	v1 =	vadd.f32 v2, v1;
	v2 =	vld.idx.msk [tilespmem:v3+s8+$0x0], $0xffff  }
0x17: {  	_ =	sdelay $0x3  }
0x18: {  	v1 =	vadd.f32 v2, v1;
	_ =	sdelay $0x1  }
0x19: {  	v1 =	vsub.f32 $0.0e+00, v1;
	_ =	sdelay $0x1  }
0x1a: {  	v1 =	vmul.f32 $1.442695020e+00, v1;
	_ =	sdelay $0x1  }
0x1b: {  	(erf) = vpow2.f32 v1;
	_ =	sdelay $0x8  }
0x1c: {  	v1 =	vpop (erf)  }
0x1d: {  	v1 =	vadd.f32 $1.000000000e+00, v1;
	_ =	sdelay $0x1  }
0x1e: {  	(erf) = vrcp.f32 v1;
	_ =	sdelay $0x4  }
0x1f: {  	s12 =	simm.s32 $0xC80  }
0x20: {  	v2 =	vadd.s32 s12, v0;
	_ =	sdelay $0x2  }
0x21: {  	v1 =	vpop (erf)  }
0x22: {  	[tilespmem:$0xC800] =	vst v1  }
0x23: {  	s12 =	simm.s32 $0xC81;
	v1 =	vimm.f32 $0.0e+00;
	v2 =	vld.idx.msk [tilespmem:v2+s8+$0x0], $0xffff  }
.LBB2_4:
0x24: {  	v3 =	vadd.s32 s12, v0;
	p0 =	sne.s32 s12, $0xD47;
	s12 =	sadd.s32 $0x1, s12  }
.Ltmp1:
0x25: {  	(pc) =	sbr.rel @p0 .LBB2_4-.Ltmp1, $2  }
0x26: {  	_ =	sdelay $0x2  }
0x27: {  	v1 =	vadd.f32 v2, v1;
	v2 =	vld.idx.msk [tilespmem:v3+s8+$0x0], $0xffff  }
0x28: {  	_ =	sdelay $0x3  }
0x29: {  	v1 =	vadd.f32 v2, v1;
	_ =	sdelay $0x1  }
0x2a: {  	v1 =	vsub.f32 $0.0e+00, v1;
	_ =	sdelay $0x1  }
0x2b: {  	v1 =	vmul.f32 $1.442695020e+00, v1;
	_ =	sdelay $0x1  }
0x2c: {  	(erf) = vpow2.f32 v1;
	_ =	sdelay $0x8  }
0x2d: {  	v1 =	vpop (erf)  }
0x2e: {  	v1 =	vadd.f32 $1.000000000e+00, v1;
	_ =	sdelay $0x1  }
0x2f: {  	(erf) = vrcp.f32 v1;
	_ =	sdelay $0x4  }
0x30: {  	s12 =	simm.s32 $0x1900  }
0x31: {  	v2 =	vadd.s32 s12, v0;
	_ =	sdelay $0x2  }
0x32: {  	v1 =	vpop (erf)  }
0x33: {  	[tilespmem:$0xC810] =	vst v1  }
0x34: {  	s12 =	simm.s32 $0x1901;
	v1 =	vimm.f32 $0.0e+00;
	v2 =	vld.idx.msk [tilespmem:v2+s8+$0x0], $0xffff  }
.LBB2_6:
0x35: {  	v3 =	vadd.s32 s12, v0;
	p0 =	sne.s32 s12, $0x19C7;
	s12 =	sadd.s32 $0x1, s12  }
.Ltmp2:
0x36: {  	(pc) =	sbr.rel @p0 .LBB2_6-.Ltmp2, $2  }
0x37: {  	_ =	sdelay $0x2  }
0x38: {  	v1 =	vadd.f32 v2, v1;
	v2 =	vld.idx.msk [tilespmem:v3+s8+$0x0], $0xffff  }
0x39: {  	_ =	sdelay $0x3  }
0x3a: {  	v1 =	vadd.f32 v2, v1;
	_ =	sdelay $0x1  }
0x3b: {  	v1 =	vsub.f32 $0.0e+00, v1;
	_ =	sdelay $0x1  }
0x3c: {  	v1 =	vmul.f32 $1.442695020e+00, v1;
	_ =	sdelay $0x1  }
0x3d: {  	(erf) = vpow2.f32 v1;
	_ =	sdelay $0x8  }
0x3e: {  	v1 =	vpop (erf)  }
0x3f: {  	v1 =	vadd.f32 $1.000000000e+00, v1;
	_ =	sdelay $0x1  }
0x40: {  	(erf) = vrcp.f32 v1;
	_ =	sdelay $0x4  }
0x41: {  	s12 =	simm.s32 $0x2580  }
0x42: {  	v2 =	vadd.s32 s12, v0;
	_ =	sdelay $0x2  }
0x43: {  	v1 =	vpop (erf)  }
0x44: {  	[tilespmem:$0xC820] =	vst v1  }
0x45: {  	s12 =	simm.s32 $0x2581;
	v1 =	vimm.f32 $0.0e+00;
	v2 =	vld.idx.msk [tilespmem:v2+s8+$0x0], $0xffff  }
.LBB2_8:
0x46: {  	v3 =	vadd.s32 s12, v0;
	p0 =	sne.s32 s12, $0x2647;
	s12 =	sadd.s32 $0x1, s12  }
.Ltmp3:
0x47: {  	(pc) =	sbr.rel @p0 .LBB2_8-.Ltmp3, $2  }
0x48: {  	_ =	sdelay $0x2  }
0x49: {  	v1 =	vadd.f32 v2, v1;
	v2 =	vld.idx.msk [tilespmem:v3+s8+$0x0], $0xffff  }
0x4a: {  	_ =	sdelay $0x3  }
0x4b: {  	v1 =	vadd.f32 v2, v1;
	_ =	sdelay $0x1  }
0x4c: {  	v1 =	vsub.f32 $0.0e+00, v1;
	_ =	sdelay $0x1  }
0x4d: {  	v1 =	vmul.f32 $1.442695020e+00, v1;
	_ =	sdelay $0x1  }
0x4e: {  	(erf) = vpow2.f32 v1;
	_ =	sdelay $0x8  }
0x4f: {  	v1 =	vpop (erf)  }
0x50: {  	v1 =	vadd.f32 $1.000000000e+00, v1;
	_ =	sdelay $0x1  }
0x51: {  	(erf) = vrcp.f32 v1;
	_ =	sdelay $0x4  }
0x52: {  	s12 =	simm.s32 $0x3200  }
0x53: {  	v2 =	vadd.s32 s12, v0;
	_ =	sdelay $0x2  }
0x54: {  	v1 =	vpop (erf)  }
0x55: {  	[tilespmem:$0xC830] =	vst v1  }
0x56: {  	s12 =	simm.s32 $0x3201;
	v1 =	vimm.f32 $0.0e+00;
	v2 =	vld.idx.msk [tilespmem:v2+s8+$0x0], $0xffff  }
.LBB2_10:
0x57: {  	v3 =	vadd.s32 s12, v0;
	p0 =	sne.s32 s12, $0x32C7;
	s12 =	sadd.s32 $0x1, s12  }
.Ltmp4:
0x58: {  	(pc) =	sbr.rel @p0 .LBB2_10-.Ltmp4, $2  }
0x59: {  	_ =	sdelay $0x2  }
0x5a: {  	v1 =	vadd.f32 v2, v1;
	v2 =	vld.idx.msk [tilespmem:v3+s8+$0x0], $0xffff  }
0x5b: {  	_ =	sdelay $0x3  }
0x5c: {  	v1 =	vadd.f32 v2, v1;
	_ =	sdelay $0x1  }
0x5d: {  	v1 =	vsub.f32 $0.0e+00, v1;
	_ =	sdelay $0x1  }
0x5e: {  	v1 =	vmul.f32 $1.442695020e+00, v1;
	_ =	sdelay $0x1  }
0x5f: {  	(erf) = vpow2.f32 v1;
	_ =	sdelay $0x8  }
0x60: {  	v1 =	vpop (erf)  }
0x61: {  	v1 =	vadd.f32 $1.000000000e+00, v1;
	_ =	sdelay $0x1  }
0x62: {  	(erf) = vrcp.f32 v1;
	_ =	sdelay $0x4  }
0x63: {  	s12 =	simm.s32 $0x3E80  }
0x64: {  	v2 =	vadd.s32 s12, v0;
	_ =	sdelay $0x2  }
0x65: {  	v1 =	vpop (erf)  }
0x66: {  	[tilespmem:$0xC840] =	vst v1  }
0x67: {  	s12 =	simm.s32 $0x3E81;
	v1 =	vimm.f32 $0.0e+00;
	v2 =	vld.idx.msk [tilespmem:v2+s8+$0x0], $0xffff  }
.LBB2_12:
0x68: {  	v3 =	vadd.s32 s12, v0;
	p0 =	sne.s32 s12, $0x3F47;
	s12 =	sadd.s32 $0x1, s12  }
.Ltmp5:
0x69: {  	(pc) =	sbr.rel @p0 .LBB2_12-.Ltmp5, $2  }
0x6a: {  	_ =	sdelay $0x2  }
0x6b: {  	v1 =	vadd.f32 v2, v1;
	v2 =	vld.idx.msk [tilespmem:v3+s8+$0x0], $0xffff  }
0x6c: {  	_ =	sdelay $0x3  }
0x6d: {  	v1 =	vadd.f32 v2, v1;
	_ =	sdelay $0x1  }
0x6e: {  	v1 =	vsub.f32 $0.0e+00, v1;
	_ =	sdelay $0x1  }
0x6f: {  	v1 =	vmul.f32 $1.442695020e+00, v1;
	_ =	sdelay $0x1  }
0x70: {  	(erf) = vpow2.f32 v1;
	_ =	sdelay $0x8  }
0x71: {  	v1 =	vpop (erf)  }
0x72: {  	v1 =	vadd.f32 $1.000000000e+00, v1;
	_ =	sdelay $0x1  }
0x73: {  	(erf) = vrcp.f32 v1;
	_ =	sdelay $0x4  }
0x74: {  	s12 =	simm.s32 $0x4B00  }
0x75: {  	v2 =	vadd.s32 s12, v0;
	_ =	sdelay $0x2  }
0x76: {  	v1 =	vpop (erf)  }
0x77: {  	[tilespmem:$0xC850] =	vst v1  }
0x78: {  	s12 =	simm.s32 $0x4B01;
	v1 =	vimm.f32 $0.0e+00;
	v2 =	vld.idx.msk [tilespmem:v2+s8+$0x0], $0xffff  }
.LBB2_14:
0x79: {  	v3 =	vadd.s32 s12, v0;
	p0 =	sne.s32 s12, $0x4BC7;
	s12 =	sadd.s32 $0x1, s12  }
.Ltmp6:
0x7a: {  	(pc) =	sbr.rel @p0 .LBB2_14-.Ltmp6, $2  }
0x7b: {  	_ =	sdelay $0x2  }
0x7c: {  	v1 =	vadd.f32 v2, v1;
	v2 =	vld.idx.msk [tilespmem:v3+s8+$0x0], $0xffff  }
0x7d: {  	_ =	sdelay $0x3  }
0x7e: {  	v1 =	vadd.f32 v2, v1;
	_ =	sdelay $0x1  }
0x7f: {  	v1 =	vsub.f32 $0.0e+00, v1;
	_ =	sdelay $0x1  }
0x80: {  	v1 =	vmul.f32 $1.442695020e+00, v1;
	_ =	sdelay $0x1  }
0x81: {  	(erf) = vpow2.f32 v1;
	_ =	sdelay $0x8  }
0x82: {  	v1 =	vpop (erf)  }
0x83: {  	v1 =	vadd.f32 $1.000000000e+00, v1;
	_ =	sdelay $0x1  }
0x84: {  	(erf) = vrcp.f32 v1;
	_ =	sdelay $0x4  }
0x85: {  	s12 =	simm.s32 $0x5780  }
0x86: {  	v2 =	vadd.s32 s12, v0;
	_ =	sdelay $0x2  }
0x87: {  	v1 =	vpop (erf)  }
0x88: {  	[tilespmem:$0xC860] =	vst v1  }
0x89: {  	s12 =	simm.s32 $0x5781;
	v1 =	vimm.f32 $0.0e+00;
	v2 =	vld.idx.msk [tilespmem:v2+s8+$0x0], $0xffff  }
.LBB2_16:
0x8a: {  	v3 =	vadd.s32 s12, v0;
	p0 =	sne.s32 s12, $0x5847;
	s12 =	sadd.s32 $0x1, s12  }
.Ltmp7:
0x8b: {  	(pc) =	sbr.rel @p0 .LBB2_16-.Ltmp7, $2  }
0x8c: {  	_ =	sdelay $0x2  }
0x8d: {  	v1 =	vadd.f32 v2, v1;
	v2 =	vld.idx.msk [tilespmem:v3+s8+$0x0], $0xffff  }
0x8e: {  	_ =	sdelay $0x3  }
0x8f: {  	v1 =	vadd.f32 v2, v1;
	_ =	sdelay $0x1  }
0x90: {  	v1 =	vsub.f32 $0.0e+00, v1;
	_ =	sdelay $0x1  }
0x91: {  	v1 =	vmul.f32 $1.442695020e+00, v1;
	_ =	sdelay $0x1  }
0x92: {  	(erf) = vpow2.f32 v1;
	_ =	sdelay $0x8  }
0x93: {  	v1 =	vpop (erf)  }
0x94: {  	v1 =	vadd.f32 $1.000000000e+00, v1;
	_ =	sdelay $0x1  }
0x95: {  	(erf) = vrcp.f32 v1;
	_ =	sdelay $0x7  }
0x96: {  	s11 =	sadd.s32 $0x1, s11  }
0x97: {  	p0 =	sne.s32 s11, s6;
	v1 =	vpop (erf)  }
.Ltmp8:
0x98: {  	[tilespmem:$0xC870] =	vst v1;
	(pc) =	sbr.rel @p0 .LBB2_1-.Ltmp8, $4  }
0x99: {  	[hbm4b:s5+s2] =	stream.linear.scatter [tilespmem:s10], [sflag:$0x2], $0x80, $0x38;
	[tilespmem:$0xC880] =	vst v63  }
0x9a: {  	_ =	swait.ge [sflag:s7], $0x80  }
0x9b: {  	[sflag:s7] =	ssyncset.done $0x0  }
0x9c: {  	[sflag:s7] =	ssyncadd.s32 $0xFFFFFF80  }
0x9d: {  	_ =	sfence.sel $0x180000  }
0x9e: {  	[bflag:$0x0] =	sbarrier.arrive $0xFFFF  }
0x9f: {  	p0 =	sne.s32 s0, $0x0;
	_ =	strace $0x90000047  }
0xa0: {  	s0 =	sadd.s32 @!p0 $0x100000, s1;
	[bflag:$0x2] =	sbarrier.arrive $0xFFFF  }
0xa1: {  	[sflag:s0] =	ssyncadd.tile.s32 @!p0 $0x1;
	_ =	shalt  }
.Lfunc_end2:
_tile_overlayer_lowered:
.L_overlay_start_2:
0xa2: {  	(tag) =	ssettag $0x2  }
0xa3: {  	s0 =	rddreg [dreg:$0x0];
	s2 =	stileid.u32  }
0xa4: {  	s1 =	rddreg [dreg:$0x1];
	p0 =	sne.s32 s2, $0x0  }
0xa5: {  	s3 =	rddreg [dreg:$0x2];
	[bflag:$0x3] =	sbarrier.arrive $0xFFFF;
	s2 =	simm.s32 @!p0 $0x1C02  }
0xa6: {  	[timem:s3], [sflag:s2] =	dma.local @!p0 [hbm:s0], s1  }
0xa7: {  	s0 =	simm.s32 @!p0 $0x2  }
0xa8: {  	_ =	swait.ge @!p0 [sflag:s0], s1  }
0xa9: {  	s1 =	ssub.s32 @!p0 $0x0, s1;
	[sflag:s0] =	ssyncset.done @!p0 $0x0  }
0xaa: {  	[sflag:s0] =	ssyncadd.s32 @!p0 s1  }
0xab: {  	[bflag:$0x3] =	sbarrier.arrive $0xFFFF  }
0xac: {  	_ =	shalt  }

</sc_bundles>
